<compile_context>
chip_gen: v7x
topology: tpu7x:2x2x1
jax: 0.10.2.dev20260603
libtpu: 0.0.44.dev20260713+nightly
codegen_flags: <defaults>
</compile_context>

<pallas_src>
import functools
import jax
import jax.numpy as jnp
import numpy as np
from jax import lax
from jax.experimental import pallas as pl
from jax.experimental.pallas import tpu as pltpu
from jax.experimental.pallas import tpu_sc as plsc

VOCAB = 1000000
EMBED_DIM = 64
NUM_CLASSES = 128
PAD_IDX = 0
BATCH = 4096
SEQ_LEN = 200

NUM_WORKERS = 32
BPW = BATCH // NUM_WORKERS
SCHUNKS = ((0, 104), (104, 96))
NVREG = EMBED_DIM // 16


def _sc_body(ta_hbm, tb_hbm, table_hbm, out_hbm, idxa_v, idxb_v, rows_v,
             sums_v, sems):
    cid = lax.axis_index("c")
    sid = lax.axis_index("s")
    wid = sid * 2 + cid
    base = wid * BPW
    pltpu.sync_copy(ta_hbm.at[pl.ds(base, BPW)], idxa_v)
    pltpu.sync_copy(tb_hbm.at[pl.ds(base, BPW)], idxb_v)

    def fire(r, buf):
        pltpu.async_copy(
            table_hbm.at[idxa_v.at[r]],
            rows_v.at[buf, pl.ds(0, 128)],
            sems.at[buf],
        )
        pltpu.async_copy(
            table_hbm.at[idxb_v.at[r, pl.ds(0, SEQ_LEN - 128)]],
            rows_v.at[buf, pl.ds(128, SEQ_LEN - 128)],
            sems.at[buf],
        )

    fire(0, 0)

    def row_body(r, _):
        buf = lax.rem(r, 2)

        @pl.when(r + 1 < BPW)
        def _prefetch():
            fire(r + 1, 1 - buf)

        pltpu.make_async_copy(
            table_hbm.at[pl.ds(0, SEQ_LEN)], rows_v.at[buf], sems.at[buf]
        ).wait()

        def seq_body(s, accs):
            return tuple(
                accs[j] + rows_v[buf, s, pl.ds(j * 16, 16)]
                for j in range(NVREG)
            )

        zeros = tuple(jnp.zeros((16,), jnp.float32) for _ in range(NVREG))
        accs = plsc.parallel_loop(0, SEQ_LEN, carry=zeros, unroll=8)(seq_body)
        for j in range(NVREG):
            sums_v[r, pl.ds(j * 16, 16)] = accs[j]
        return 0

    lax.fori_loop(0, BPW, row_body, 0)
    pltpu.sync_copy(sums_v, out_hbm.at[pl.ds(base, BPW), pl.ds(0, EMBED_DIM)])


@functools.partial(jax.jit, static_argnums=())
def _sc_sums(text_a, text_b, emb_table):
    mesh = plsc.VectorSubcoreMesh(core_axis_name="c", subcore_axis_name="s")
    return pl.kernel(
        _sc_body,
        mesh=mesh,
        out_type=jax.ShapeDtypeStruct((BATCH, 2 * EMBED_DIM), jnp.float32),
        scratch_types=[
            pltpu.VMEM((BPW, 128), jnp.int32),
            pltpu.VMEM((BPW, 128), jnp.int32),
            pltpu.VMEM((2, SEQ_LEN, EMBED_DIM), jnp.float32),
            pltpu.VMEM((BPW, EMBED_DIM), jnp.float32),
            pltpu.SemaphoreType.DMA((2,)),
        ],
        compiler_params=pltpu.CompilerParams(use_tc_tiling_on_sc=False),
    )(text_a, text_b, emb_table)


REPACK_C = 16384
REPACK_H = REPACK_C // 2
REPACK_G = -(-VOCAB // REPACK_C)
VOCAB_PAD = REPACK_G * REPACK_C


def _tc_repack_body(t_ref, out_ref):
    y = jnp.transpose(t_ref[...])
    out_ref[...] = jnp.concatenate([y[:REPACK_H], y[REPACK_H:]], axis=1)


def _tc_repack(t_tbl):
    return pl.pallas_call(
        _tc_repack_body,
        grid=(REPACK_G,),
        in_specs=[pl.BlockSpec((EMBED_DIM, REPACK_C), lambda i: (0, i))],
        out_specs=pl.BlockSpec((REPACK_H, 2 * EMBED_DIM), lambda i: (i, 0)),
        out_shape=jax.ShapeDtypeStruct((VOCAB_PAD // 2, 2 * EMBED_DIM),
                                       jnp.float32),
    )(t_tbl)


def _remap_idx(i):
    m = i % REPACK_C
    return i + m - jnp.where(m >= REPACK_H, REPACK_C - 1, 0)


BB = 256


def _tc_finish_body(text_ref, sums_ref, w_ref, b_ref, out_ref):
    mask = (text_ref[...] != PAD_IDX).astype(jnp.float32)
    cnt = jnp.sum(mask, axis=1, keepdims=True)
    avg = sums_ref[...][:, :EMBED_DIM] / (cnt + 1e-6)
    out_ref[...] = (
        lax.dot_general(
            avg, w_ref[...], (((1,), (1,)), ((), ())),
            preferred_element_type=jnp.float32,
        )
        + b_ref[...]
    )


def _tc_finish(text, sums, fc_w, fc_b2):
    return pl.pallas_call(
        _tc_finish_body,
        grid=(BATCH // BB,),
        in_specs=[
            pl.BlockSpec((BB, SEQ_LEN), lambda i: (i, 0)),
            pl.BlockSpec((BB, 2 * EMBED_DIM), lambda i: (i, 0)),
            pl.BlockSpec((NUM_CLASSES, EMBED_DIM), lambda i: (0, 0)),
            pl.BlockSpec((1, NUM_CLASSES), lambda i: (0, 0)),
        ],
        out_specs=pl.BlockSpec((BB, NUM_CLASSES), lambda i: (i, 0)),
        out_shape=jax.ShapeDtypeStruct((BATCH, NUM_CLASSES), jnp.float32),
    )(text, sums, fc_w, fc_b2)


def kernel(text, emb_table, fc_w, fc_b):
    tbl_lin = _tc_repack(emb_table.T).reshape(VOCAB_PAD, EMBED_DIM)
    text_a = _remap_idx(text[:, :128])
    text_b = _remap_idx(
        jnp.pad(text[:, 128:], ((0, 0), (0, 128 - (SEQ_LEN - 128)))))
    sums = _sc_sums(text_a, text_b, tbl_lin)
    return _tc_finish(text, sums, fc_w, fc_b.reshape(1, NUM_CLASSES))

# --- scband reference (transcript-rebuilt; emitter-appended) ---
"""Pipeline reference for scband-fast-text-979252543735 (READ-ONLY COPY).

The authoritative reference and input builder live on the scoring server;
editing this copy changes nothing except your own understanding.
"""

import jax, jax.numpy as jnp
import numpy as np

VOCAB = 1000000
EMBED_DIM = 64
NUM_CLASSES = 128
PAD_IDX = 0
BATCH = 4096
SEQ_LEN = 200

def setup_inputs(seed: int = 0) -> dict:
    key = jax.random.key(seed)
    k1, k2, k3, k4 = jax.random.split(key, 4)
    text = jax.random.randint(k1, (BATCH, SEQ_LEN), 0, VOCAB, dtype=jnp.int64 if jax.config.jax_enable_x64 else jnp.int32)
    emb_table = jax.random.normal(k2, (VOCAB, EMBED_DIM), dtype=jnp.float32)
    # torch nn.Embedding(padding_idx=pad_idx) initializes the pad row to zeros
    emb_table = emb_table.at[PAD_IDX].set(0.0)
    bound = 1.0 / np.sqrt(EMBED_DIM)
    fc_w = jax.random.uniform(k3, (NUM_CLASSES, EMBED_DIM), minval=-bound, maxval=bound, dtype=jnp.float32)
    fc_b = jax.random.uniform(k4, (NUM_CLASSES,), minval=-bound, maxval=bound, dtype=jnp.float32)
    return {"text": text, "emb_table": emb_table, "fc_w": fc_w, "fc_b": fc_b}

def reference(text, emb_table, fc_w, fc_b):
    # forward_features
    embedded = jnp.take(emb_table, text, axis=0)                       # (B, S, D)
    mask = (text != PAD_IDX).astype(jnp.float32)[..., None]            # (B, S, 1)
    masked_embeddings = embedded * mask
    summed_embeddings = jnp.sum(masked_embeddings, axis=1)             # (B, D)
    sequence_lengths = jnp.sum(mask, axis=1)                           # (B, 1)
    sequence_lengths = jnp.broadcast_to(sequence_lengths, summed_embeddings.shape)
    epsilon = 1e-06
    averaged_embeddings = summed_embeddings / (sequence_lengths + epsilon)
    # fc
    return averaged_embeddings @ fc_w.T + fc_b

if __name__ == "__main__":
    import jax
    _d = setup_inputs()
    print(jax.jit(kernel)(*tuple(_d.values())))

</pallas_src>

<mosaic_0001>
#map = affine_map<(d0, d1) -> (0, 0)>
module attributes {stable_mosaic.version = 14 : i64} {
  func.func @_sc_body(%arg0: i32, %arg1: i32, %arg2: memref<4096x128xi32, #tpu.memory_space<hbm>>, %arg3: memref<4096x128xi32, #tpu.memory_space<hbm>>, %arg4: memref<1015808x64xf32, #tpu.memory_space<hbm>>, %arg5: memref<4096x128xf32, #tpu.memory_space<hbm>>, %arg6: memref<128x128xi32, #tpu.memory_space<vmem>>, %arg7: memref<128x128xi32, #tpu.memory_space<vmem>>, %arg8: memref<2x200x64xf32, #tpu.memory_space<vmem>>, %arg9: memref<128x64xf32, #tpu.memory_space<vmem>>, %arg10: memref<2x!tpu.dma_semaphore, #tpu.memory_space<semaphore_mem>>) attributes {dimension_semantics = [#tpu.dimension_semantics<core_parallel>, #tpu.dimension_semantics<subcore_parallel>], iteration_bounds = array<i64: 2, 16>, scalar_prefetch = 0 : i64, scratch_operands = 5 : i64, tpu.core_type = #tpu.core_type<sc_vector_subcore>, window_params = [{transform_indices = #map}, {transform_indices = #map}, {transform_indices = #map}, {transform_indices = #map}]} {
    %mul3A = arith.constant 2 : i32
    %mul3A_0 = arith.muli %arg1, %mul3A : i32
    %add3A = arith.addi %mul3A_0, %arg0 : i32
    %mul3A_1 = arith.constant 128 : i32
    %mul3A_2 = arith.muli %add3A, %mul3A_1 : i32
    "tpu.region"() ({
      %run_scoped3A = tpu.sem_alloc : memref<!tpu.dma_semaphore, #tpu.memory_space<semaphore_mem>>
      %dma_start3A_38 = arith.constant 0 : i32
      %dma_start3A_39 = tpu.memref_slice %arg2[%mul3A_2, %dma_start3A_38] : memref<4096x128xi32, #tpu.memory_space<hbm>> -> memref<128x128xi32, #tpu.memory_space<hbm>>
      %dma_start3A_40 = arith.constant 0 : i32
      %dma_start3A_41 = tpu.memref_slice %arg2[%mul3A_2, %dma_start3A_40] : memref<4096x128xi32, #tpu.memory_space<hbm>> -> memref<128x128xi32, #tpu.memory_space<hbm>>
      tpu.enqueue_dma source(%dma_start3A_41 : memref<128x128xi32, #tpu.memory_space<hbm>>) target(%arg6 : memref<128x128xi32, #tpu.memory_space<vmem>>) target_semaphore(%run_scoped3A : memref<!tpu.dma_semaphore, #tpu.memory_space<semaphore_mem>>)
      %dma_wait3A = arith.constant 0 : i32
      %dma_wait3A_42 = tpu.memref_slice %arg2[%mul3A_2, %dma_wait3A] : memref<4096x128xi32, #tpu.memory_space<hbm>> -> memref<128x128xi32, #tpu.memory_space<hbm>>
      %dma_wait3A_43 = arith.constant 0 : i32
      %dma_wait3A_44 = tpu.memref_slice %arg2[%mul3A_2, %dma_wait3A_43] : memref<4096x128xi32, #tpu.memory_space<hbm>> -> memref<128x128xi32, #tpu.memory_space<hbm>>
      tpu.wait_dma2 semaphore(%run_scoped3A : memref<!tpu.dma_semaphore, #tpu.memory_space<semaphore_mem>>) src(%dma_wait3A_44 : memref<128x128xi32, #tpu.memory_space<hbm>>) dst(%arg6 : memref<128x128xi32, #tpu.memory_space<vmem>>)
      tpu.yield
    }) : () -> ()
    "tpu.region"() ({
      %run_scoped3A = tpu.sem_alloc : memref<!tpu.dma_semaphore, #tpu.memory_space<semaphore_mem>>
      %dma_start3A_38 = arith.constant 0 : i32
      %dma_start3A_39 = tpu.memref_slice %arg3[%mul3A_2, %dma_start3A_38] : memref<4096x128xi32, #tpu.memory_space<hbm>> -> memref<128x128xi32, #tpu.memory_space<hbm>>
      %dma_start3A_40 = arith.constant 0 : i32
      %dma_start3A_41 = tpu.memref_slice %arg3[%mul3A_2, %dma_start3A_40] : memref<4096x128xi32, #tpu.memory_space<hbm>> -> memref<128x128xi32, #tpu.memory_space<hbm>>
      tpu.enqueue_dma source(%dma_start3A_41 : memref<128x128xi32, #tpu.memory_space<hbm>>) target(%arg7 : memref<128x128xi32, #tpu.memory_space<vmem>>) target_semaphore(%run_scoped3A : memref<!tpu.dma_semaphore, #tpu.memory_space<semaphore_mem>>)
      %dma_wait3A = arith.constant 0 : i32
      %dma_wait3A_42 = tpu.memref_slice %arg3[%mul3A_2, %dma_wait3A] : memref<4096x128xi32, #tpu.memory_space<hbm>> -> memref<128x128xi32, #tpu.memory_space<hbm>>
      %dma_wait3A_43 = arith.constant 0 : i32
      %dma_wait3A_44 = tpu.memref_slice %arg3[%mul3A_2, %dma_wait3A_43] : memref<4096x128xi32, #tpu.memory_space<hbm>> -> memref<128x128xi32, #tpu.memory_space<hbm>>
      tpu.wait_dma2 semaphore(%run_scoped3A : memref<!tpu.dma_semaphore, #tpu.memory_space<semaphore_mem>>) src(%dma_wait3A_44 : memref<128x128xi32, #tpu.memory_space<hbm>>) dst(%arg7 : memref<128x128xi32, #tpu.memory_space<vmem>>)
      tpu.yield
    }) : () -> ()
    %dma_start3A = arith.constant 0 : i32
    %dma_start3A_3 = arith.constant 0 : i32
    %dma_start3A_4 = arith.constant 0 : i32
    %dma_start3A_5 = arith.constant 0 : i32
    %dma_start3A_6 = arith.constant 0 : i32
    %dma_start3A_7 = tpu.memref_slice %arg8[%dma_start3A_3, %dma_start3A_5, %dma_start3A_6] : memref<2x200x64xf32, #tpu.memory_space<vmem>> -> memref<1x128x64xf32, #tpu.memory_space<vmem>>
    %dma_start3A_8 = tpu.memref_squeeze %dma_start3A_7 : memref<1x128x64xf32, #tpu.memory_space<vmem>> -> memref<128x64xf32, #tpu.memory_space<vmem>>
    %dma_start3A_9 = arith.constant 0 : i32
    %dma_start3A_10 = tpu.memref_slice %arg6[%dma_start3A, %dma_start3A_9] : memref<128x128xi32, #tpu.memory_space<vmem>> -> memref<1x128xi32, #tpu.memory_space<vmem>>
    %dma_start3A_11 = tpu.memref_squeeze %dma_start3A_10 : memref<1x128xi32, #tpu.memory_space<vmem>> -> memref<128xi32, #tpu.memory_space<vmem>>
    %dma_start3A_12 = arith.constant 0 : i32
    %dma_start3A_13 = arith.constant 0 : i32
    %dma_start3A_14 = tpu.memref_slice %arg4[%dma_start3A_12, %dma_start3A_13] : memref<1015808x64xf32, #tpu.memory_space<hbm>> -> memref<1015808x64xf32, #tpu.memory_space<hbm>>
    %dma_start3A_15 = tpu.memref_slice %arg10[%dma_start3A_4] : memref<2x!tpu.dma_semaphore, #tpu.memory_space<semaphore_mem>> -> memref<1x!tpu.dma_semaphore, #tpu.memory_space<semaphore_mem>>
    %dma_start3A_16 = tpu.memref_squeeze %dma_start3A_15 : memref<1x!tpu.dma_semaphore, #tpu.memory_space<semaphore_mem>> -> memref<!tpu.dma_semaphore, #tpu.memory_space<semaphore_mem>>
    tpu.enqueue_indirect_dma source(%dma_start3A_14 : memref<1015808x64xf32, #tpu.memory_space<hbm>>) target(%dma_start3A_8 : memref<128x64xf32, #tpu.memory_space<vmem>>) offsets(%dma_start3A_11 : memref<128xi32, #tpu.memory_space<vmem>>) semaphore(%dma_start3A_16 : memref<!tpu.dma_semaphore, #tpu.memory_space<semaphore_mem>>)
    %dma_start3A_17 = arith.constant 0 : i32
    %dma_start3A_18 = arith.constant 0 : i32
    %dma_start3A_19 = arith.constant 0 : i32
    %dma_start3A_20 = arith.constant 128 : i32
    %dma_start3A_21 = arith.constant 0 : i32
    %dma_start3A_22 = tpu.memref_slice %arg8[%dma_start3A_18, %dma_start3A_20, %dma_start3A_21] : memref<2x200x64xf32, #tpu.memory_space<vmem>> -> memref<1x72x64xf32, #tpu.memory_space<vmem>>
    %dma_start3A_23 = tpu.memref_squeeze %dma_start3A_22 : memref<1x72x64xf32, #tpu.memory_space<vmem>> -> memref<72x64xf32, #tpu.memory_space<vmem>>
    %dma_start3A_24 = arith.constant 0 : i32
    %dma_start3A_25 = tpu.memref_slice %arg7[%dma_start3A_17, %dma_start3A_24] : memref<128x128xi32, #tpu.memory_space<vmem>> -> memref<1x72xi32, #tpu.memory_space<vmem>>
    %dma_start3A_26 = tpu.memref_squeeze %dma_start3A_25 : memref<1x72xi32, #tpu.memory_space<vmem>> -> memref<72xi32, #tpu.memory_space<vmem>>
    %dma_start3A_27 = arith.constant 0 : i32
    %dma_start3A_28 = arith.constant 0 : i32
    %dma_start3A_29 = tpu.memref_slice %arg4[%dma_start3A_27, %dma_start3A_28] : memref<1015808x64xf32, #tpu.memory_space<hbm>> -> memref<1015808x64xf32, #tpu.memory_space<hbm>>
    %dma_start3A_30 = tpu.memref_slice %arg10[%dma_start3A_19] : memref<2x!tpu.dma_semaphore, #tpu.memory_space<semaphore_mem>> -> memref<1x!tpu.dma_semaphore, #tpu.memory_space<semaphore_mem>>
    %dma_start3A_31 = tpu.memref_squeeze %dma_start3A_30 : memref<1x!tpu.dma_semaphore, #tpu.memory_space<semaphore_mem>> -> memref<!tpu.dma_semaphore, #tpu.memory_space<semaphore_mem>>
    tpu.enqueue_indirect_dma source(%dma_start3A_29 : memref<1015808x64xf32, #tpu.memory_space<hbm>>) target(%dma_start3A_23 : memref<72x64xf32, #tpu.memory_space<vmem>>) offsets(%dma_start3A_26 : memref<72xi32, #tpu.memory_space<vmem>>) semaphore(%dma_start3A_31 : memref<!tpu.dma_semaphore, #tpu.memory_space<semaphore_mem>>)
    %scan3A = arith.constant 0 : i32
    %scan3A_32 = arith.constant 0 : i32
    %scan3A_33 = arith.constant 128 : i32
    %scan3A_34 = arith.addi %scan3A_32, %scan3A_33 : i32
    %scan3A_35 = arith.constant 1 : i32
    %scan3A_36 = scf.for %scan3A_38 = %scan3A_32 to %scan3A_34 step %scan3A_35 iter_args(%scan3A_39 = %scan3A) -> (i32)  : i32 {
      %rem3A = arith.constant 2 : i32
      %rem3A_40 = arith.remsi %scan3A_38, %rem3A : i32
      %add3A_41 = arith.constant 1 : i32
      %add3A_42 = arith.addi %scan3A_38, %add3A_41 : i32
      %lt3A = arith.constant 128 : i32
      %lt3A_43 = arith.cmpi slt, %add3A_42, %lt3A : i32
      %convert_element_type3A = arith.extui %lt3A_43 : i1 to i32
      %cond3A = arith.constant 0 : i32
      %cond3A_44 = arith.cmpi ne, %convert_element_type3A, %cond3A : i32
      scf.if %cond3A_44 {
        %add3A_90 = arith.constant 1 : i32
        %add3A_91 = arith.addi %scan3A_38, %add3A_90 : i32
        %sub3A = arith.constant 1 : i32
        %sub3A_92 = arith.subi %sub3A, %rem3A_40 : i32
        %dma_start3A_93 = arith.constant 0 : i32
        %dma_start3A_94 = arith.constant 0 : i32
        %dma_start3A_95 = tpu.memref_slice %arg8[%sub3A_92, %dma_start3A_93, %dma_start3A_94] : memref<2x200x64xf32, #tpu.memory_space<vmem>> -> memref<1x128x64xf32, #tpu.memory_space<vmem>>
        %dma_start3A_96 = tpu.memref_squeeze %dma_start3A_95 : memref<1x128x64xf32, #tpu.memory_space<vmem>> -> memref<128x64xf32, #tpu.memory_space<vmem>>
        %dma_start3A_97 = arith.constant 0 : i32
        %dma_start3A_98 = tpu.memref_slice %arg6[%add3A_91, %dma_start3A_97] : memref<128x128xi32, #tpu.memory_space<vmem>> -> memref<1x128xi32, #tpu.memory_space<vmem>>
        %dma_start3A_99 = tpu.memref_squeeze %dma_start3A_98 : memref<1x128xi32, #tpu.memory_space<vmem>> -> memref<128xi32, #tpu.memory_space<vmem>>
        %dma_start3A_100 = arith.constant 0 : i32
        %dma_start3A_101 = arith.constant 0 : i32
        %dma_start3A_102 = tpu.memref_slice %arg4[%dma_start3A_100, %dma_start3A_101] : memref<1015808x64xf32, #tpu.memory_space<hbm>> -> memref<1015808x64xf32, #tpu.memory_space<hbm>>
        %dma_start3A_103 = tpu.memref_slice %arg10[%sub3A_92] : memref<2x!tpu.dma_semaphore, #tpu.memory_space<semaphore_mem>> -> memref<1x!tpu.dma_semaphore, #tpu.memory_space<semaphore_mem>>
        %dma_start3A_104 = tpu.memref_squeeze %dma_start3A_103 : memref<1x!tpu.dma_semaphore, #tpu.memory_space<semaphore_mem>> -> memref<!tpu.dma_semaphore, #tpu.memory_space<semaphore_mem>>
        tpu.enqueue_indirect_dma source(%dma_start3A_102 : memref<1015808x64xf32, #tpu.memory_space<hbm>>) target(%dma_start3A_96 : memref<128x64xf32, #tpu.memory_space<vmem>>) offsets(%dma_start3A_99 : memref<128xi32, #tpu.memory_space<vmem>>) semaphore(%dma_start3A_104 : memref<!tpu.dma_semaphore, #tpu.memory_space<semaphore_mem>>)
        %dma_start3A_105 = arith.constant 128 : i32
        %dma_start3A_106 = arith.constant 0 : i32
        %dma_start3A_107 = tpu.memref_slice %arg8[%sub3A_92, %dma_start3A_105, %dma_start3A_106] : memref<2x200x64xf32, #tpu.memory_space<vmem>> -> memref<1x72x64xf32, #tpu.memory_space<vmem>>
        %dma_start3A_108 = tpu.memref_squeeze %dma_start3A_107 : memref<1x72x64xf32, #tpu.memory_space<vmem>> -> memref<72x64xf32, #tpu.memory_space<vmem>>
        %dma_start3A_109 = arith.constant 0 : i32
        %dma_start3A_110 = tpu.memref_slice %arg7[%add3A_91, %dma_start3A_109] : memref<128x128xi32, #tpu.memory_space<vmem>> -> memref<1x72xi32, #tpu.memory_space<vmem>>
        %dma_start3A_111 = tpu.memref_squeeze %dma_start3A_110 : memref<1x72xi32, #tpu.memory_space<vmem>> -> memref<72xi32, #tpu.memory_space<vmem>>
        %dma_start3A_112 = arith.constant 0 : i32
        %dma_start3A_113 = arith.constant 0 : i32
        %dma_start3A_114 = tpu.memref_slice %arg4[%dma_start3A_112, %dma_start3A_113] : memref<1015808x64xf32, #tpu.memory_space<hbm>> -> memref<1015808x64xf32, #tpu.memory_space<hbm>>
        %dma_start3A_115 = tpu.memref_slice %arg10[%sub3A_92] : memref<2x!tpu.dma_semaphore, #tpu.memory_space<semaphore_mem>> -> memref<1x!tpu.dma_semaphore, #tpu.memory_space<semaphore_mem>>
        %dma_start3A_116 = tpu.memref_squeeze %dma_start3A_115 : memref<1x!tpu.dma_semaphore, #tpu.memory_space<semaphore_mem>> -> memref<!tpu.dma_semaphore, #tpu.memory_space<semaphore_mem>>
        tpu.enqueue_indirect_dma source(%dma_start3A_114 : memref<1015808x64xf32, #tpu.memory_space<hbm>>) target(%dma_start3A_108 : memref<72x64xf32, #tpu.memory_space<vmem>>) offsets(%dma_start3A_111 : memref<72xi32, #tpu.memory_space<vmem>>) semaphore(%dma_start3A_116 : memref<!tpu.dma_semaphore, #tpu.memory_space<semaphore_mem>>)
      } else {
      }
      %dma_wait3A = arith.constant 0 : i32
      %dma_wait3A_45 = arith.constant 0 : i32
      %dma_wait3A_46 = tpu.memref_slice %arg8[%rem3A_40, %dma_wait3A, %dma_wait3A_45] : memref<2x200x64xf32, #tpu.memory_space<vmem>> -> memref<1x200x64xf32, #tpu.memory_space<vmem>>
      %dma_wait3A_47 = tpu.memref_squeeze %dma_wait3A_46 : memref<1x200x64xf32, #tpu.memory_space<vmem>> -> memref<200x64xf32, #tpu.memory_space<vmem>>
      %dma_wait3A_48 = arith.constant 0 : i32
      %dma_wait3A_49 = arith.constant 0 : i32
      %dma_wait3A_50 = tpu.memref_slice %arg4[%dma_wait3A_48, %dma_wait3A_49] : memref<1015808x64xf32, #tpu.memory_space<hbm>> -> memref<200x64xf32, #tpu.memory_space<hbm>>
      %dma_wait3A_51 = tpu.memref_slice %arg10[%rem3A_40] : memref<2x!tpu.dma_semaphore, #tpu.memory_space<semaphore_mem>> -> memref<1x!tpu.dma_semaphore, #tpu.memory_space<semaphore_mem>>
      %dma_wait3A_52 = tpu.memref_squeeze %dma_wait3A_51 : memref<1x!tpu.dma_semaphore, #tpu.memory_space<semaphore_mem>> -> memref<!tpu.dma_semaphore, #tpu.memory_space<semaphore_mem>>
      %dma_wait3A_53 = arith.constant 0 : i32
      %dma_wait3A_54 = arith.constant 0 : i32
      %dma_wait3A_55 = tpu.memref_slice %arg8[%rem3A_40, %dma_wait3A_53, %dma_wait3A_54] : memref<2x200x64xf32, #tpu.memory_space<vmem>> -> memref<1x200x64xf32, #tpu.memory_space<vmem>>
      %dma_wait3A_56 = tpu.memref_squeeze %dma_wait3A_55 : memref<1x200x64xf32, #tpu.memory_space<vmem>> -> memref<200x64xf32, #tpu.memory_space<vmem>>
      %dma_wait3A_57 = arith.constant 0 : i32
      %dma_wait3A_58 = arith.constant 0 : i32
      %dma_wait3A_59 = tpu.memref_slice %arg4[%dma_wait3A_57, %dma_wait3A_58] : memref<1015808x64xf32, #tpu.memory_space<hbm>> -> memref<200x64xf32, #tpu.memory_space<hbm>>
      tpu.wait_dma2 semaphore(%dma_wait3A_52 : memref<!tpu.dma_semaphore, #tpu.memory_space<semaphore_mem>>) src(%dma_wait3A_59 : memref<200x64xf32, #tpu.memory_space<hbm>>) dst(%dma_wait3A_56 : memref<200x64xf32, #tpu.memory_space<vmem>>)
      %broadcast_in_dim3A = arith.constant 0.000000e+00 : f32
      %broadcast_in_dim3A_60 = vector.broadcast %broadcast_in_dim3A : f32 to vector<16xf32>
      %broadcast_in_dim3A_61 = arith.constant 0.000000e+00 : f32
      %broadcast_in_dim3A_62 = vector.broadcast %broadcast_in_dim3A_61 : f32 to vector<16xf32>
      %broadcast_in_dim3A_63 = arith.constant 0.000000e+00 : f32
      %broadcast_in_dim3A_64 = vector.broadcast %broadcast_in_dim3A_63 : f32 to vector<16xf32>
      %broadcast_in_dim3A_65 = arith.constant 0.000000e+00 : f32
      %broadcast_in_dim3A_66 = vector.broadcast %broadcast_in_dim3A_65 : f32 to vector<16xf32>
      %parallel_loop3A = arith.constant 0 : i32
      %parallel_loop3A_67 = arith.constant 200 : i32
      %parallel_loop3A_68 = arith.constant 1 : i32
      %parallel_loop3A_69:4 = scf.for %parallel_loop3A_90 = %parallel_loop3A to %parallel_loop3A_67 step %parallel_loop3A_68 iter_args(%parallel_loop3A_91 = %broadcast_in_dim3A_60, %parallel_loop3A_92 = %broadcast_in_dim3A_62, %parallel_loop3A_93 = %broadcast_in_dim3A_64, %parallel_loop3A_94 = %broadcast_in_dim3A_66) -> (vector<16xf32>, vector<16xf32>, vector<16xf32>, vector<16xf32>)  : i32 {
        %parallel_loop3A_95 = arith.index_cast %rem3A_40 : i32 to index
        %parallel_loop3A_96 = arith.index_cast %parallel_loop3A_90 : i32 to index
        %parallel_loop3A_97 = arith.constant 0 : index
        %parallel_loop3A_98 = tpu.vector_load %arg8[%parallel_loop3A_95, %parallel_loop3A_96, %parallel_loop3A_97] {strides = array<i32>} : memref<2x200x64xf32, #tpu.memory_space<vmem>>, vector<1x1x16xf32>,
        %parallel_loop3A_99 = vector.shape_cast %parallel_loop3A_98 : vector<1x1x16xf32> to vector<16xf32>
        %parallel_loop3A_100 = arith.addf %parallel_loop3A_91, %parallel_loop3A_99 : vector<16xf32>
        %parallel_loop3A_101 = arith.index_cast %rem3A_40 : i32 to index
        %parallel_loop3A_102 = arith.index_cast %parallel_loop3A_90 : i32 to index
        %parallel_loop3A_103 = arith.constant 16 : index
        %parallel_loop3A_104 = tpu.vector_load %arg8[%parallel_loop3A_101, %parallel_loop3A_102, %parallel_loop3A_103] {strides = array<i32>} : memref<2x200x64xf32, #tpu.memory_space<vmem>>, vector<1x1x16xf32>,
        %parallel_loop3A_105 = vector.shape_cast %parallel_loop3A_104 : vector<1x1x16xf32> to vector<16xf32>
        %parallel_loop3A_106 = arith.addf %parallel_loop3A_92, %parallel_loop3A_105 : vector<16xf32>
        %parallel_loop3A_107 = arith.index_cast %rem3A_40 : i32 to index
        %parallel_loop3A_108 = arith.index_cast %parallel_loop3A_90 : i32 to index
        %parallel_loop3A_109 = arith.constant 32 : index
        %parallel_loop3A_110 = tpu.vector_load %arg8[%parallel_loop3A_107, %parallel_loop3A_108, %parallel_loop3A_109] {strides = array<i32>} : memref<2x200x64xf32, #tpu.memory_space<vmem>>, vector<1x1x16xf32>,
        %parallel_loop3A_111 = vector.shape_cast %parallel_loop3A_110 : vector<1x1x16xf32> to vector<16xf32>
        %parallel_loop3A_112 = arith.addf %parallel_loop3A_93, %parallel_loop3A_111 : vector<16xf32>
        %parallel_loop3A_113 = arith.index_cast %rem3A_40 : i32 to index
        %parallel_loop3A_114 = arith.index_cast %parallel_loop3A_90 : i32 to index
        %parallel_loop3A_115 = arith.constant 48 : index
        %parallel_loop3A_116 = tpu.vector_load %arg8[%parallel_loop3A_113, %parallel_loop3A_114, %parallel_loop3A_115] {strides = array<i32>} : memref<2x200x64xf32, #tpu.memory_space<vmem>>, vector<1x1x16xf32>,
        %parallel_loop3A_117 = vector.shape_cast %parallel_loop3A_116 : vector<1x1x16xf32> to vector<16xf32>
        %parallel_loop3A_118 = arith.addf %parallel_loop3A_94, %parallel_loop3A_117 : vector<16xf32>
        scf.yield %parallel_loop3A_100, %parallel_loop3A_106, %parallel_loop3A_112, %parallel_loop3A_118 : vector<16xf32>, vector<16xf32>, vector<16xf32>, vector<16xf32>
      } {sc.loop_unroll_factor = 8 : i64, sc.parallel_access}
      %swap3A = arith.index_cast %scan3A_38 : i32 to index
      %swap3A_70 = arith.constant 0 : index
      %swap3A_71 = tpu.vector_load %arg9[%swap3A, %swap3A_70] {strides = array<i32>} : memref<128x64xf32, #tpu.memory_space<vmem>>, vector<1x16xf32>,
      %swap3A_72 = vector.shape_cast %swap3A_71 : vector<1x16xf32> to vector<16xf32>
      %swap3A_73 = vector.shape_cast %parallel_loop3A_69#0 : vector<16xf32> to vector<1x16xf32>
      tpu.vector_store %arg9[%swap3A, %swap3A_70], %swap3A_73 {strides = array<i32>} : memref<128x64xf32, #tpu.memory_space<vmem>>, vector<1x16xf32>,
      %swap3A_74 = arith.index_cast %scan3A_38 : i32 to index
      %swap3A_75 = arith.constant 16 : index
      %swap3A_76 = tpu.vector_load %arg9[%swap3A_74, %swap3A_75] {strides = array<i32>} : memref<128x64xf32, #tpu.memory_space<vmem>>, vector<1x16xf32>,
      %swap3A_77 = vector.shape_cast %swap3A_76 : vector<1x16xf32> to vector<16xf32>
      %swap3A_78 = vector.shape_cast %parallel_loop3A_69#1 : vector<16xf32> to vector<1x16xf32>
      tpu.vector_store %arg9[%swap3A_74, %swap3A_75], %swap3A_78 {strides = array<i32>} : memref<128x64xf32, #tpu.memory_space<vmem>>, vector<1x16xf32>,
      %swap3A_79 = arith.index_cast %scan3A_38 : i32 to index
      %swap3A_80 = arith.constant 32 : index
      %swap3A_81 = tpu.vector_load %arg9[%swap3A_79, %swap3A_80] {strides = array<i32>} : memref<128x64xf32, #tpu.memory_space<vmem>>, vector<1x16xf32>,
      %swap3A_82 = vector.shape_cast %swap3A_81 : vector<1x16xf32> to vector<16xf32>
      %swap3A_83 = vector.shape_cast %parallel_loop3A_69#2 : vector<16xf32> to vector<1x16xf32>
      tpu.vector_store %arg9[%swap3A_79, %swap3A_80], %swap3A_83 {strides = array<i32>} : memref<128x64xf32, #tpu.memory_space<vmem>>, vector<1x16xf32>,
      %swap3A_84 = arith.index_cast %scan3A_38 : i32 to index
      %swap3A_85 = arith.constant 48 : index
      %swap3A_86 = tpu.vector_load %arg9[%swap3A_84, %swap3A_85] {strides = array<i32>} : memref<128x64xf32, #tpu.memory_space<vmem>>, vector<1x16xf32>,
      %swap3A_87 = vector.shape_cast %swap3A_86 : vector<1x16xf32> to vector<16xf32>
      %swap3A_88 = vector.shape_cast %parallel_loop3A_69#3 : vector<16xf32> to vector<1x16xf32>
      tpu.vector_store %arg9[%swap3A_84, %swap3A_85], %swap3A_88 {strides = array<i32>} : memref<128x64xf32, #tpu.memory_space<vmem>>, vector<1x16xf32>,
      %scan3A_89 = arith.constant 0 : i32
      scf.yield %scan3A_89 : i32
    }
    %scan3A_37 = arith.constant 128 : i32
    "tpu.region"() ({
      %run_scoped3A = tpu.sem_alloc : memref<!tpu.dma_semaphore, #tpu.memory_space<semaphore_mem>>
      %dma_start3A_38 = arith.constant 0 : i32
      %dma_start3A_39 = tpu.memref_slice %arg5[%mul3A_2, %dma_start3A_38] : memref<4096x128xf32, #tpu.memory_space<hbm>> -> memref<128x64xf32, #tpu.memory_space<hbm>>
      %dma_start3A_40 = arith.constant 0 : i32
      %dma_start3A_41 = tpu.memref_slice %arg5[%mul3A_2, %dma_start3A_40] : memref<4096x128xf32, #tpu.memory_space<hbm>> -> memref<128x64xf32, #tpu.memory_space<hbm>>
      tpu.enqueue_dma source(%arg9 : memref<128x64xf32, #tpu.memory_space<vmem>>) target(%dma_start3A_41 : memref<128x64xf32, #tpu.memory_space<hbm>>) target_semaphore(%run_scoped3A : memref<!tpu.dma_semaphore, #tpu.memory_space<semaphore_mem>>)
      %dma_wait3A = arith.constant 0 : i32
      %dma_wait3A_42 = tpu.memref_slice %arg5[%mul3A_2, %dma_wait3A] : memref<4096x128xf32, #tpu.memory_space<hbm>> -> memref<128x64xf32, #tpu.memory_space<hbm>>
      %dma_wait3A_43 = arith.constant 0 : i32
      %dma_wait3A_44 = tpu.memref_slice %arg5[%mul3A_2, %dma_wait3A_43] : memref<4096x128xf32, #tpu.memory_space<hbm>> -> memref<128x64xf32, #tpu.memory_space<hbm>>
      tpu.wait_dma2 semaphore(%run_scoped3A : memref<!tpu.dma_semaphore, #tpu.memory_space<semaphore_mem>>) src(%arg9 : memref<128x64xf32, #tpu.memory_space<vmem>>) dst(%dma_wait3A_44 : memref<128x64xf32, #tpu.memory_space<hbm>>)
      tpu.yield
    }) : () -> ()
    return
  }
}

</mosaic_0001>

<sc_bundles>
// kernel: _sc_sums.3.cloned.1.call-start
scs
__scs_entry_jumppad:
0x0: {  	(pc) =	sbr.rel $0x88, $3  }
0x1: {  	(tag) =	ssettag $0x0;
	lr =	simm.s32 $0x1  }
0x2: {  	[smem:$0x3F9E] =	sst lr;
	_ =	strace $0xD0000000  }
0x3: {  	_ = 	snop  }
0x4: {  	_ = 	snop  }
0x5: {  	_ = 	snop  }
0x6: {  	_ = 	snop  }
0x7: {  	_ = 	snop  }
__scs_overlays_trampoline_lowered:
0x8: {  	[smem:$0x3FAD] =	sst s0  }
0x9: {  	[smem:$0x3FAE] =	sst s1  }
0xa: {  	[smem:$0x3FAF] =	sst s2  }
0xb: {  	[smem:$0x3FB0] =	sst s3  }
0xc: {  	[smem:$0x3FB1] =	sst s4  }
0xd: {  	[smem:$0x3FB2] =	sst s5  }
0xe: {  	[smem:$0x3FB3] =	sst s6  }
0xf: {  	[smem:$0x3FB4] =	sst s7  }
0x10: {  	[smem:$0x3FB5] =	sst s8  }
0x11: {  	[smem:$0x3FB6] =	sst s9;
	s0 =	simm.s32 @!p0 $0x0  }
0x12: {  	s1 =	sld [smem:$0x3F9C];
	s0 =	simm.s32 @p0 $0x1  }
0x13: {  	[smem:$0x3FB7] =	sst s0;
	s0 =	simm.s32 @!p1 $0x0  }
0x14: {  	s2 =	sld [smem:$0x3F9B];
	s0 =	simm.s32 @p1 $0x1  }
0x15: {  	[smem:$0x3FB8] =	sst s0;
	s0 =	simm.s32 @!p2 $0x0  }
0x16: {  	s3 =	sld [smem:$0x3FDB];
	s0 =	simm.s32 @p2 $0x1  }
0x17: {  	s4 =	simm.s32 $0x1BF5;
	[smem:$0x3FBA] =	sst s0  }
0x18: {  	s0 =	sld [smem:$0x3F9D];
	_ =	swait.ge [sflag:s4], $0x0  }
0x19: {  	s7 =	sld [smem:$0x3F9E]  }
0x1a: {  	s8 =	sadd.s32 $0xFFFFE003, lr  }
0x1b: {  	s9 =	sadd.s32 $0xFFFFFEF7, lr;
	s5 =	simm.s32 $0xFFFFFFFF;
	p2 =	slt.u32 s8, $0xFFFFF086  }
0x1c: {  	p1 =	slt.u32 s9, $0xF7A;
	s5 =	simm.s32 @!p2 $0x0  }
0x1d: {  	s5 =	simm.s32 @p1 $0x1;
	p0 =	seq.s32 s7, s2  }
0x1e: {  	s7 =	smul.u32 @!p0 $0xF7A, s2;
	p2 =	seq.s32 @!p0 s5, $0x0  }
0x1f: {  	s9 =	smul.u32 $0xF7A, s1;
	s8 =	simm.s32 @!p0 $0x1BF5;
	p2 =	por !p2, p0  }
0x20: {  	[sflag:s8] =	ssyncset.s32 @!p0 $0xFFFFF086;
	s6 =	sadd.s32 @!p0 s3, s7;
	s7 =	simm.s32 @!p0 $0x108  }
0x21: {  	s3 =	sadd.s32 s3, s9;
	s6 =	sadd.s32 @!p0 $0x88, s6;
	s7 =	simm.s32 @p2 $0x1082  }
0x22: {  	[simem:s7], [sflag:s8] =	dma.local @!p0 [hbm:s6], $0xF7A  }
0x23: {  	s9 =	sor.u32 $0xD0000000, s2;
	s6 =	simm.s32 $0x108;
	_ =	swait.ge @!p0 [sflag:s8], $0x0  }
0x24: {  	s3 =	sadd.s32 $0x88, s3;
	s6 =	simm.s32 @!p1 $0x1082;
	[sflag:s4] =	ssyncset.s32 $0xFFFFF086  }
0x25: {  	[simem:s6], [sflag:s4] =	dma.local [hbm:s3], $0xF7A  }
0x26: {  	[smem:$0x3F9E] =	sst s1;
	(tag) =	ssettag s2;
	_ =	strace s9  }
0x27: {  	s1 =	sld [smem:$0x3FAE]  }
0x28: {  	s2 =	sld [smem:$0x3FAF]  }
0x29: {  	s4 =	sld [smem:$0x3FB1]  }
0x2a: {  	p0 =	seq.s32 s5, $0x0;
	s5 =	sld [smem:$0x3FB2]  }
0x2b: {  	s6 =	sld [smem:$0x3FB3]  }
0x2c: {  	s7 =	sld [smem:$0x3FB4]  }
0x2d: {  	s3 =	simm.s32 $0x108;
	s8 =	sld [smem:$0x3FB5]  }
0x2e: {  	s3 =	simm.s32 @!p0 $0x1082;
	s9 =	sld [smem:$0x3FB6]  }
0x2f: {  	lr =	sadd.s32 s0, s3;
	s0 =	sld [smem:$0x3FAD]  }
0x30: {  	s3 =	sld [smem:$0x3FB0]  }
0x31: {  	[smem:$0x3FB9] =	sst s10  }
0x32: {  	s10 =	sld [smem:$0x3FB7];
	_ =	sdelay $0x3  }
0x33: {  	p0 =	seq.s32 s10, $0x1;
	s10 =	sld [smem:$0x3FB9];
	_ =	sdelay $0x3  }
0x34: {  	[smem:$0x3FB9] =	sst s10  }
0x35: {  	s10 =	sld [smem:$0x3FB8];
	_ =	sdelay $0x3  }
0x36: {  	p1 =	seq.s32 s10, $0x1;
	s10 =	sld [smem:$0x3FB9];
	_ =	sdelay $0x3  }
0x37: {  	[smem:$0x3FB9] =	sst s10  }
0x38: {  	s10 =	sld [smem:$0x3FBA]  }
0x39: {  	_ = 	snop;
	(pc) =	sbr.ind lr, $3  }
0x3a: {  	_ = 	snop  }
0x3b: {  	_ = 	snop  }
0x3c: {  	p2 =	seq.s32 s10, $0x1;
	s10 =	sld [smem:$0x3FB9]  }
0x3d: {  	_ =	shalt  }
0x3e: {  	_ =	shalt  }
0x3f: {  	_ =	shalt  }
0x40: {  	_ =	shalt  }
0x41: {  	_ =	shalt  }
0x42: {  	_ =	shalt  }
0x43: {  	_ =	shalt  }
0x44: {  	_ =	shalt  }
0x45: {  	_ =	shalt  }
0x46: {  	_ =	shalt  }
0x47: {  	_ =	shalt  }
0x48: {  	_ =	shalt  }
0x49: {  	_ =	shalt  }
0x4a: {  	_ =	shalt  }
0x4b: {  	_ =	shalt  }
0x4c: {  	_ =	shalt  }
0x4d: {  	_ =	shalt  }
0x4e: {  	_ =	shalt  }
0x4f: {  	_ =	shalt  }
0x50: {  	_ =	shalt  }
0x51: {  	_ =	shalt  }
0x52: {  	_ =	shalt  }
0x53: {  	_ =	shalt  }
0x54: {  	_ =	shalt  }
0x55: {  	_ =	shalt  }
0x56: {  	_ =	shalt  }
0x57: {  	_ =	shalt  }
0x58: {  	_ =	shalt  }
0x59: {  	_ =	shalt  }
0x5a: {  	_ =	shalt  }
0x5b: {  	_ =	shalt  }
0x5c: {  	_ =	shalt  }
0x5d: {  	_ =	shalt  }
0x5e: {  	_ =	shalt  }
0x5f: {  	_ =	shalt  }
0x60: {  	_ =	shalt  }
0x61: {  	_ =	shalt  }
0x62: {  	_ =	shalt  }
0x63: {  	_ =	shalt  }
0x64: {  	_ =	shalt  }
0x65: {  	_ =	shalt  }
0x66: {  	_ =	shalt  }
0x67: {  	_ =	shalt  }
0x68: {  	_ =	shalt  }
0x69: {  	_ =	shalt  }
0x6a: {  	_ =	shalt  }
0x6b: {  	_ =	shalt  }
0x6c: {  	_ =	shalt  }
0x6d: {  	_ =	shalt  }
0x6e: {  	_ =	shalt  }
0x6f: {  	_ =	shalt  }
0x70: {  	_ =	shalt  }
0x71: {  	_ =	shalt  }
0x72: {  	_ =	shalt  }
0x73: {  	_ =	shalt  }
0x74: {  	_ =	shalt  }
0x75: {  	_ =	shalt  }
0x76: {  	_ =	shalt  }
0x77: {  	_ =	shalt  }
0x78: {  	_ =	shalt  }
0x79: {  	_ =	shalt  }
0x7a: {  	_ =	shalt  }
0x7b: {  	_ =	shalt  }
0x7c: {  	_ =	shalt  }
0x7d: {  	_ =	shalt  }
0x7e: {  	_ =	shalt  }
0x7f: {  	_ =	shalt  }
0x80: {  	_ =	shalt  }
0x81: {  	_ =	shalt  }
0x82: {  	_ =	shalt  }
0x83: {  	_ =	shalt  }
0x84: {  	_ =	shalt  }
0x85: {  	_ =	shalt  }
0x86: {  	_ =	shalt  }
0x87: {  	_ =	shalt  }
.Lfunc_end0:
.L_simem_size_0:
called_computation_lowered:
.L_overlay_start_0:
0x88: {  	s2 =	sld [smem:$0x3FD9]  }
0x89: {  	s3 =	sld [smem:$0x3FFE];
	_ =	sdelay $0x1  }
0x8a: {  	s1 =	srdreg.scid  }
0x8b: {  	s0 =	sand.u32 $0x1, s1  }
0x8c: {  	s17 =	sshll.u32 s0, $0xA;
	s2 =	sadd.s32 s3, s2  }
0x8d: {  	s2 =	sadd.s32 s2, s17  }
0x8e: {  	[smem:$0x3FC5] =	sst s2  }
0x8f: {  	_ = 	snop  }
0x90: {  	s2 =	sld [smem:$0x3FC9]  }
0x91: {  	s18 =	sld [smem:$0x3FC8]  }
0x92: {  	s4 =	sld [smem:$0x3FD0];
	(tm) =	ssettm $0x1  }
0x93: {  	s5 =	sld [smem:$0x3FFB];
	_ =	sdelay $0x3  }
0x94: {  	_ =	strace s5  }
0x95: {  	s5 =	sld [smem:$0x3FFC];
	_ =	sdelay $0x3  }
0x96: {  	_ =	strace s5  }
0x97: {  	s5 =	sld [smem:$0x3FFD];
	_ =	sdelay $0x3  }
0x98: {  	_ =	strace s5  }
0x99: {  	_ =	strace $0x8FFFFFFF  }
0x9a: {  	s19 =	sld [smem:$0x3FDB];
	_ =	sdelay $0x1  }
0x9b: {  	s6 =	simm.s32 $_scs_section_size  }
0x9c: {  	s7 =	simm.s32 $_size__tile_overlayer_lowered;
	s8 =	simm.s32 $_tile_overlayer_lowered  }
0x9d: {  	s22 =	simm.s32 $0x1BFF;
	s21 =	sshll.u32 s8, $0x1;
	s5 =	sadd.s32 s6, s19  }
0x9e: {  	s9 =	simm.s32 $0x0;
	s20 =	sshll.u32 s7, $0x1;
	s7 =	sadd.s32 s21, s5  }
0x9f: {  	[timem:s9], [sflag:s22] =	dma.local [hbm:s7], s20  }
0xa0: {  	_ =	swait.ge [sflag:s22], s20  }
0xa1: {  	s6 =	ssub.s32 $0x0, s20;
	[sflag:s22] =	ssyncset.done $0x0  }
0xa2: {  	[sflag:s22] =	ssyncadd.s32 s6;
	_ =	sdelay $0x1  }
0xa3: {  	s23 =	simm.s32 $0x1B8B  }
0xa4: {  	_ =	swait.ge [sflag:s23], $0x1  }
0xa5: {  	[sflag:s23] =	ssyncset.done $0x0  }
0xa6: {  	s25 =	simm.s32 $0x1B8E;
	s24 =	sld [smem:$0x3FFE];
	[sflag:s23] =	ssyncadd.s32 $0xFFFFFFFF  }
0xa7: {  	s26 =	simm.s32 $execute0_lowered;
	[smem:$0x3FD2] =	sst s25  }
0xa8: {  	s7 =	sshll.u32 s26, $0x1;
	_ =	strace $0x80000046;
	[dreg:$0x1] =	wrdreg $0xFFFFFFFF  }
0xa9: {  	s28 =	simm.s32 $_size_execute0_lowered;
	s5 =	sadd.s32 s5, s7;
	[dreg:$0x0] =	wrdreg $0x0  }
0xaa: {  	s7 =	sshll.u32 s28, $0x1;
	[dreg:$0x2] =	wrdreg s5  }
0xab: {  	[dreg:$0x3] =	wrdreg s7  }
0xac: {  	[dreg:$0x4] =	wrdreg $0xC0  }
0xad: {  	_ =	task [dreg:s9], $0x5FFFF  }
0xae: {  	[dreg:$0x1] =	wrdreg $0xFFFFFFFF  }
0xaf: {  	[dreg:$0x0] =	wrdreg $0x60  }
0xb0: {  	[dreg:$0x2] =	wrdreg s2  }
0xb1: {  	[dreg:$0x3] =	wrdreg s18  }
0xb2: {  	[dreg:$0x4] =	wrdreg s24  }
0xb3: {  	[dreg:$0x5] =	wrdreg s4  }
0xb4: {  	[dreg:$0x6] =	wrdreg $0x9  }
0xb5: {  	_ =	task.clear_ibuf [dreg:s9], $0x7FFFF;
	_ =	strace $0x90000046  }
0xb6: {  	s29 =	simm.s32 $0x9;
	_ =	strace $0x80000048  }
0xb7: {  	_ =	swait.ge [sflag:s29], $0x1  }
0xb8: {  	[sflag:s29] =	ssyncadd.s32 $0xFFFFFFFF  }
0xb9: {  	_ =	strace $0x90000048  }
0xba: {  	_ =	sfence  }
0xbb: {  	s30 =	sld [smem:$0x0];
	_ =	sdelay $0x2  }
0xbc: {  	s31 =	sshll.u32 s1, $0xD;
	s1 =	sshrl.u32 s1, $0x2  }
0xbd: {  	s3 =	sand.u32 $0x4000, s31;
	s1 =	sadd.s32 s1, s30  }
0xbe: {  	s0 =	sor.u32 s3, s0;
	s1 =	sshll.u32 s1, $0x11  }
0xbf: {  	s0 =	sor.u32 s1, s0  }
0xc0: {  	s0 =	sadd.s32 $0x8F2B, s0  }
0xc1: {  	[sflag:s0] =	ssyncadd.remote.s32 $0x1  }
0xc2: {  	_ =	sfence.sel $0xFFFF  }
0xc3: {  	[dreg:$0x0] =	wrdreg $0xFFFFFFFF;
	(pc) =	sbr.abs _section_cstart, $3  }
0xc4: {  	[dreg:$0x1] =	wrdreg $0xFFFFFFFF  }
0xc5: {  	_ =	task.clear_ibuf [dreg:s9], $0x2FFFF;
	_ =	strace $0x9FFFFFFF  }
0xc6: {  	(tm) =	ssettm $0x7FFFFFFF  }
0xc7: {  	_ =	shalt  }
tec
execute0_lowered:
.L_overlay_start_1:
0x0: {  	(tag) =	ssettag $0x1  }
0x1: {  	s4 =	rddreg [dreg:$0x0]  }
0x2: {  	s5 =	rddreg [dreg:$0x1]  }
0x3: {  	s3 =	rddreg [dreg:$0x2]  }
0x4: {  	s6 =	rddreg [dreg:$0x3]  }
0x5: {  	s0 =	rddreg [dreg:$0x4];
	s2 =	simm.s32 $0x0;
	s7 =	srdreg.scid  }
0x6: {  	s1 =	stileid.u32;
	s11 =	simm.s32 $0x8000;
	s12 =	simm.s32 $0x48  }
0x7: {  	s13 =	simm.s32 $0xA000;
	s14 =	simm.s32 $0x40;
	s15 =	simm.s32 $0xE400  }
0x8: {  	s16 =	simm.s32 $0x0;
	[smem:$0x7FF] =	sst s2;
	s7 =	sand.u32 $0x1, s7  }
0x9: {  	s9 =	sshll.u32 s1, $0xC;
	s3 =	sadd.s32 $0xF80400, s3;
	s8 =	ssub.s32 $0x2, s7  }
0xa: {  	s7 =	sshll.u32 s7, $0xB;
	_ =	strace $0x80000047;
	s10 =	sshrl.u32 s8, $0x1  }
0xb: {  	s7 =	sor.u32 s7, s9;
	s9 =	simm.s32 $0x4000;
	s8 =	ssub.s32 s8, s10  }
0xc: {  	s4 =	sadd.s32 s4, s7;
	s5 =	sadd.s32 s5, s7;
	s6 =	sadd.s32 s6, s7  }
0xd: {  	s10 =	simm.s32 $0x80;
	s7 =	smax.u32 s8, $0x1;
	s8 =	simm.s32 $0x3  }
.LBB2_1:
0xe: {  	[tilespmem:s2], [sflag:$0x3] =	stream.linear.gather [hbm4b:s4+s2], $0x4000, $0x38;
	[tilespmem:$0x10400] =	vst v63  }
0xf: {  	_ =	swait.ge [sflag:s8], $0x4000  }
0x10: {  	[sflag:s8] =	ssyncset.done $0x0  }
0x11: {  	[sflag:s8] =	ssyncadd.s32 $0xFFFFC000  }
0x12: {  	[tilespmem:s9], [sflag:$0x3] =	stream.linear.gather [hbm4b:s5+s2], $0x4000, $0x38;
	[tilespmem:$0x10400] =	vst v63  }
0x13: {  	_ =	swait.ge [sflag:s8], $0x4000  }
0x14: {  	[sflag:s8] =	ssyncset.done $0x0  }
0x15: {  	[sflag:s8] =	ssyncadd.s32 $0xFFFFC000  }
0x16: {  	[tilespmem:s11], [sflag:$0x1] =	stream.indirect.gather [hbm4b:s3+s10], $0x40, s2, s10, $0xb8;
	[tilespmem:$0x10400] =	vst v63  }
0x17: {  	p0 =	por $0x0, $0x0;
	s17 =	simm.s32 $0x0  }
0x18: {  	[tilespmem:s13], [sflag:$0x1] =	stream.indirect.gather [hbm4b:s3+s12], $0x40, s9, s12, $0xb8;
	[tilespmem:$0x10400] =	vst v63  }
.LBB2_2:
0x19: {  	s18 =	simm.s32 $0x1  }
0x1a: {  	s19 =	sand.u32 $0x1, s17;
	p1 =	seq.s32 s17, $0x7F;
	s18 =	simm.s32 @!p0 $0x0  }
0x1b: {  	s20 =	sxor.u32 @!p1 $0x1, s19;
	s18 =	smul.u32 $0xC800, s18  }
0x1c: {  	s21 =	smul.u32 @!p1 $0xC800, s20  }
0x1d: {  	s25 =	simm.s32 @!p1 $0x80;
	s19 =	sadd.s32 $0x1, s19;
	s18 =	sshrl.u32 s18, $0x2  }
0x1e: {  	s21 =	sshrl.u32 @!p1 s21, $0x2;
	s22 =	sor.u32 $0x8020, s18;
	s18 =	sadd.s32 $0x1, s17  }
0x1f: {  	s20 =	sadd.s32 @!p1 $0x1, s20;
	s23 =	sor.u32 @!p1 $0x8000, s21;
	s24 =	sshll.u32 @!p1 s18, $0x7  }
0x20: {  	[tilespmem:s23], [sflag:s20] =	stream.indirect.gather @!p1 [hbm4b:s3+s25], $0x40, s24, s25, $0xb8;
	[tilespmem:$0x10400] =	vst v63  }
0x21: {  	s21 =	sadd.s32 @!p1 $0xA000, s21;
	v1 =	vmov s22;
	s23 =	sadd.s32 @!p1 $0x4000, s24;
	s24 =	simm.s32 @!p1 $0x48  }
0x22: {  	[tilespmem:s21], [sflag:s20] =	stream.indirect.gather @!p1 [hbm4b:s3+s24], $0x40, s23, s24, $0xb8;
	[tilespmem:$0x10400] =	vst v63  }
0x23: {  	_ =	swait.ge [sflag:s19], $0x3200  }
0x24: {  	[sflag:s19] =	ssyncset.done $0x0  }
0x25: {  	s31 =	simm.s32 $0x0;
	[sflag:s19] =	ssyncadd.s32 $0xFFFFCE00  }
0x26: {  	v0 =	vld.idx.msk [tilespmem:v1+s31+$0x10 ss:$0x1], $0xffff  }
0x27: {  	v3 =	vld.idx.msk [tilespmem:v1+s31+$0xFFFFFFE0 ss:$0x1], $0xffff  }
0x28: {  	v2 =	vimm.f32 $0.0e+00;
	v4 =	vld.idx.msk [tilespmem:v1+s31+$0xFFFFFFF0 ss:$0x1], $0xffff  }
0x29: {  	v8 =	vimm.f32 $0.0e+00;
	v7 =	vimm.f32 $0.0e+00;
	v6 =	vimm.f32 $0.0e+00;
	s19 =	simm.s32 $0x100;
	v5 =	vld.idx.msk [tilespmem:v1+s31+$0x0 ss:$0x1], $0xffff  }
.LBB2_3:
0x2a: {  	p1 =	sne.s32 s19, $0xC700  }
.Ltmp0:
0x2b: {  	s20 =	sshra.s32 s19, $0x2;
	s19 =	sadd.s32 $0x100, s19;
	(pc) =	sbr.rel @p1 .LBB2_3-.Ltmp0, $4  }
0x2c: {  	v2 =	vadd.f32 v0, v2;
	v0 =	vld.idx.msk [tilespmem:v1+s20+$0x10 ss:$0x1], $0xffff  }
0x2d: {  	v8 =	vadd.f32 v3, v8;
	v3 =	vld.idx.msk [tilespmem:v1+s20+$0xFFFFFFE0 ss:$0x1], $0xffff  }
0x2e: {  	v7 =	vadd.f32 v4, v7;
	v4 =	vld.idx.msk [tilespmem:v1+s20+$0xFFFFFFF0 ss:$0x1], $0xffff  }
0x2f: {  	v6 =	vadd.f32 v5, v6;
	v5 =	vld.idx.msk [tilespmem:v1+s20+$0x0 ss:$0x1], $0xffff  }
0x30: {  	_ = 	snop  }
0x31: {  	s17 =	sshll.u32 s17, $0x6;
	p1 =	sne.s32 s18, $0x80;
	v0 =	vadd.f32 v0, v2  }
.Ltmp1:
0x32: {  	s17 =	sand.u32 $0x3FFFFFC0, s17;
	v1 =	vadd.f32 v3, v8;
	(pc) =	sbr.rel @p1 .LBB2_2-.Ltmp1, $4  }
0x33: {  	v62 =	vadd.f32 v4, v7;
	[tilespmem:s17+$0xE430] =	vst v0  }
0x34: {  	v63 =	vadd.f32 v5, v6;
	[tilespmem:s17+$0xE400] =	vst v1  }
0x35: {  	[tilespmem:s17+$0xE410] =	vst v62  }
0x36: {  	p0 =	por !p0, !p0;
	[tilespmem:s17+$0xE420] =	vst v63;
	s17 =	smov.u32 s18  }
0x37: {  	s16 =	sadd.s32 $0x1, s16  }
0x38: {  	p0 =	sne.s32 s16, s7  }
.Ltmp2:
0x39: {  	_ = 	snop;
	(pc) =	sbr.rel @p0 .LBB2_1-.Ltmp2, $4  }
0x3a: {  	[hbm4b:s6+s14] =	stream.strided.scatter [tilespmem:s15], [sflag:$0x3], $0x2000, s10, s14, $0x38;
	[tilespmem:$0x10400] =	vst v63  }
0x3b: {  	_ =	swait.ge [sflag:s8], $0x2000  }
0x3c: {  	[sflag:s8] =	ssyncset.done $0x0  }
0x3d: {  	[sflag:s8] =	ssyncadd.s32 $0xFFFFE000  }
0x3e: {  	_ =	sfence.sel $0x180000  }
0x3f: {  	[bflag:$0x0] =	sbarrier.arrive $0xFFFF  }
0x40: {  	p0 =	sne.s32 s1, $0x0;
	_ =	strace $0x90000047  }
0x41: {  	s0 =	sadd.s32 @!p0 $0x100000, s0;
	[bflag:$0x2] =	sbarrier.arrive $0xFFFF  }
0x42: {  	[sflag:s0] =	ssyncadd.tile.s32 @!p0 $0x1;
	_ =	shalt  }
.Lfunc_end2:
_tile_overlayer_lowered:
.L_overlay_start_2:
0x43: {  	(tag) =	ssettag $0x2  }
0x44: {  	s0 =	rddreg [dreg:$0x0];
	s2 =	stileid.u32  }
0x45: {  	s1 =	rddreg [dreg:$0x1];
	p0 =	sne.s32 s2, $0x0  }
0x46: {  	s3 =	rddreg [dreg:$0x2];
	[bflag:$0x3] =	sbarrier.arrive $0xFFFF;
	s2 =	simm.s32 @!p0 $0x1C03  }
0x47: {  	[timem:s3], [sflag:s2] =	dma.local @!p0 [hbm:s0], s1  }
0x48: {  	s0 =	simm.s32 @!p0 $0x3  }
0x49: {  	_ =	swait.ge @!p0 [sflag:s0], s1  }
0x4a: {  	s1 =	ssub.s32 @!p0 $0x0, s1;
	[sflag:s0] =	ssyncset.done @!p0 $0x0  }
0x4b: {  	[sflag:s0] =	ssyncadd.s32 @!p0 s1  }
0x4c: {  	[bflag:$0x3] =	sbarrier.arrive $0xFFFF  }
0x4d: {  	_ =	shalt  }

</sc_bundles>
